<compile_context>
chip_gen: v7x
topology: tpu7x:2x2x1
jax: 0.10.2.dev20260603
libtpu: 0.0.44.dev20260713+nightly
codegen_flags: <defaults>
</compile_context>

<pallas_src>
import functools

import jax
import jax.numpy as jnp
from jax import lax
from jax.experimental import pallas as pl
from jax.experimental.pallas import tpu as pltpu
from jax.experimental.pallas import tpu_sc as plsc

CB = 8192
D = 32
N = 16384
COST = 0.25

M_BLK = 1024
N_BLK = 4096
NUM_M = N // M_BLK
NUM_N = CB // N_BLK
BIG_F = float(2 ** 30)

NC, NS = 2, 16
NW = NC * NS
BPW = N // NW
HALF = BPW // 2


def _argmin_body(e_ref, zt_ref, idx_ref):
    zt = zt_ref[...]
    zt2 = zt + zt
    z2 = jnp.sum(zt * zt, axis=0, keepdims=True)
    fio = lax.broadcasted_iota(
        jnp.int32, (N_BLK, M_BLK), 0).astype(jnp.float32)
    run_min = None
    run_idx = None
    for nb in range(NUM_N):
        e = e_ref[pl.ds(nb * N_BLK, N_BLK), :]
        e2 = jnp.sum(e * e, axis=1, keepdims=True)
        mm2 = lax.dot_general(e, zt2, (((1,), (0,)), ((), ())),
                              preferred_element_type=jnp.float32)
        d = (z2 + e2) - mm2
        bmin = jnp.min(d, axis=0, keepdims=True)
        bidx = jnp.min(jnp.where(d == bmin, fio, BIG_F),
                       axis=0, keepdims=True) + float(nb * N_BLK)
        bmin_b = bmin.astype(jnp.bfloat16).astype(jnp.float32)
        if nb == 0:
            run_min, run_idx = bmin_b, bidx
        else:
            take = bmin < run_min
            run_idx = jnp.where(take, bidx, run_idx)
            run_min = jnp.where(take, bmin_b, run_min)
    idx_ref[...] = run_idx.astype(jnp.int32).reshape(1, 1, M_BLK)


def _argmin_call(embedding_weight, z_t):
    return pl.pallas_call(
        _argmin_body,
        grid=(NUM_M,),
        in_specs=[
            pl.BlockSpec((CB, D), lambda m: (0, 0)),
            pl.BlockSpec((D, M_BLK), lambda m: (0, m)),
        ],
        out_specs=pl.BlockSpec((1, 1, M_BLK), lambda m: (m, 0, 0)),
        out_shape=jax.ShapeDtypeStruct((NUM_M, 1, M_BLK), jnp.int32),
    )(embedding_weight, z_t)


DPAD = 128


def _sc_body(e_hbm, idx_hbm, z_hbm, qst_hbm, part_hbm,
             idx_v, z_v, rows_v, acc_v, sem):
    wid = lax.axis_index("s") * NC + lax.axis_index("c")
    base = wid * BPW
    pltpu.sync_copy(idx_hbm.at[pl.ds(base, BPW)], idx_v)
    pltpu.sync_copy(z_hbm.at[pl.ds(base, BPW)], z_v)

    zero = jnp.zeros((16,), jnp.float32)
    acc = (zero, zero)
    for h in range(BPW // HALF):
        roff = h * HALF
        pltpu.async_copy(e_hbm.at[idx_v.at[pl.ds(roff, HALF)]],
                         rows_v, sem).wait()

        def body(r, a, roff=roff):
            a0, a1 = a
            q0 = rows_v[r, pl.ds(0, 16)]
            z0 = z_v[roff + r, pl.ds(0, 16)]
            z_v[roff + r, pl.ds(0, 16)] = z0 + (q0 - z0)
            d0 = z0 - q0
            q1 = rows_v[r, pl.ds(16, 16)]
            z1 = z_v[roff + r, pl.ds(16, 16)]
            z_v[roff + r, pl.ds(16, 16)] = z1 + (q1 - z1)
            d1 = z1 - q1
            return (a0 + d0 * d0, a1 + d1 * d1)

        acc = lax.fori_loop(0, HALF, body, acc)

    acc_v[...] = acc[0] + acc[1]
    pltpu.sync_copy(z_v, qst_hbm.at[pl.ds(base, BPW)])
    pltpu.sync_copy(acc_v, part_hbm.at[wid])


@functools.lru_cache(maxsize=1)
def _sc_gather():
    return functools.partial(
        pl.kernel,
        out_type=[
            jax.ShapeDtypeStruct((N, D), jnp.float32),
            jax.ShapeDtypeStruct((NW, 16), jnp.float32),
        ],
        mesh=plsc.VectorSubcoreMesh(core_axis_name="c", subcore_axis_name="s"),
        scratch_types=[
            pltpu.VMEM((BPW,), jnp.int32),
            pltpu.VMEM((BPW, D), jnp.float32),
            pltpu.VMEM((HALF, DPAD), jnp.float32),
            pltpu.VMEM((16,), jnp.float32),
            pltpu.SemaphoreType.DMA,
        ],
    )(_sc_body)


def kernel(z_flat, embedding_weight):
    z_t = z_flat.T
    idx3 = _argmin_call(embedding_weight, z_t)
    indices = idx3.reshape(N)
    e_pad = jnp.pad(embedding_weight, ((0, 0), (0, DPAD - D)))
    quantized_st, parts = _sc_gather()(e_pad, indices, z_flat)
    loss = COST * (jnp.sum(parts) / jnp.float32(N * D))
    return (loss, quantized_st, indices)

# --- scband reference (transcript-rebuilt; emitter-appended) ---
"""Pipeline reference for scband-flattened-vector-quantizer-ema-10239202034430 (READ-ONLY COPY).

The authoritative reference and input builder live on the scoring server;
editing this copy changes nothing except your own understanding.
"""

import jax, jax.numpy as jnp
import numpy as np

CODEBOOK_SIZE = 8192
CODE_DIM = 32
N_TOKENS = 16384
COMMITMENT_COST = 0.25


def setup_inputs(seed: int = 0) -> dict:
    key = jax.random.key(seed)
    k1, k2 = jax.random.split(key)
    z_flat = jax.random.normal(k1, (N_TOKENS, CODE_DIM), dtype=jnp.float32)
    # embedding initialized uniform(-1/K, 1/K) as in the torch module
    embedding_weight = jax.random.uniform(
        k2, (CODEBOOK_SIZE, CODE_DIM), dtype=jnp.float32,
        minval=-1.0 / CODEBOOK_SIZE, maxval=1.0 / CODEBOOK_SIZE)
    return {"z_flat": z_flat, "embedding_weight": embedding_weight}


def reference(z_flat, embedding_weight):
    # pairwise squared distances: ||z||^2 + ||e||^2 - 2 z e^T
    distances = (jnp.sum(z_flat ** 2, axis=1, keepdims=True)
                 + jnp.sum(embedding_weight ** 2, axis=1)
                 - 2.0 * jnp.matmul(z_flat, embedding_weight.T))
    indices = jnp.argmin(distances, axis=1)
    quantized = jnp.take(embedding_weight, indices, axis=0)
    # eval mode: EMA buffer updates are skipped (self.training == False)
    e_latent_loss = jnp.mean((z_flat - jax.lax.stop_gradient(quantized)) ** 2)
    loss = COMMITMENT_COST * e_latent_loss
    quantized_st = z_flat + jax.lax.stop_gradient(quantized - z_flat)
    return (loss, quantized_st, indices)

if __name__ == "__main__":
    import jax
    _d = setup_inputs()
    print(jax.jit(kernel)(*tuple(_d.values())))

</pallas_src>

<mosaic_0001>
#map = affine_map<(d0, d1) -> (0, 0)>
#map1 = affine_map<(d0, d1) -> (0)>
module attributes {stable_mosaic.version = 14 : i64} {
  func.func @_sc_body(%arg0: i32, %arg1: i32, %arg2: memref<8192x128xf32, #tpu.memory_space<hbm>>, %arg3: memref<16384xi32, #tpu.memory_space<hbm>>, %arg4: memref<16384x32xf32, #tpu.memory_space<hbm>>, %arg5: memref<16384x32xf32, #tpu.memory_space<hbm>>, %arg6: memref<32x16xf32, #tpu.memory_space<hbm>>, %arg7: memref<512xi32, #tpu.memory_space<vmem>>, %arg8: memref<512x32xf32, #tpu.memory_space<vmem>>, %arg9: memref<256x128xf32, #tpu.memory_space<vmem>>, %arg10: memref<16xf32, #tpu.memory_space<vmem>>, %arg11: memref<!tpu.dma_semaphore, #tpu.memory_space<semaphore_mem>>) attributes {dimension_semantics = [#tpu.dimension_semantics<core_parallel>, #tpu.dimension_semantics<subcore_parallel>], iteration_bounds = array<i64: 2, 16>, scalar_prefetch = 0 : i64, scratch_operands = 5 : i64, tpu.core_type = #tpu.core_type<sc_vector_subcore>, window_params = [{transform_indices = #map}, {transform_indices = #map1}, {transform_indices = #map}, {transform_indices = #map}, {transform_indices = #map}]} {
    %mul3A = arith.constant 2 : i32
    %mul3A_0 = arith.muli %arg1, %mul3A : i32
    %add3A = arith.addi %mul3A_0, %arg0 : i32
    %mul3A_1 = arith.constant 512 : i32
    %mul3A_2 = arith.muli %add3A, %mul3A_1 : i32
    "tpu.region"() ({
      %run_scoped3A = tpu.sem_alloc : memref<!tpu.dma_semaphore, #tpu.memory_space<semaphore_mem>>
      %dma_start3A_37 = tpu.memref_slice %arg3[%mul3A_2] : memref<16384xi32, #tpu.memory_space<hbm>> -> memref<512xi32, #tpu.memory_space<hbm>>
      %dma_start3A_38 = tpu.memref_slice %arg3[%mul3A_2] : memref<16384xi32, #tpu.memory_space<hbm>> -> memref<512xi32, #tpu.memory_space<hbm>>
      tpu.enqueue_dma source(%dma_start3A_38 : memref<512xi32, #tpu.memory_space<hbm>>) target(%arg7 : memref<512xi32, #tpu.memory_space<vmem>>) target_semaphore(%run_scoped3A : memref<!tpu.dma_semaphore, #tpu.memory_space<semaphore_mem>>)
      %dma_wait3A_39 = tpu.memref_slice %arg3[%mul3A_2] : memref<16384xi32, #tpu.memory_space<hbm>> -> memref<512xi32, #tpu.memory_space<hbm>>
      %dma_wait3A_40 = tpu.memref_slice %arg3[%mul3A_2] : memref<16384xi32, #tpu.memory_space<hbm>> -> memref<512xi32, #tpu.memory_space<hbm>>
      tpu.wait_dma2 semaphore(%run_scoped3A : memref<!tpu.dma_semaphore, #tpu.memory_space<semaphore_mem>>) src(%dma_wait3A_40 : memref<512xi32, #tpu.memory_space<hbm>>) dst(%arg7 : memref<512xi32, #tpu.memory_space<vmem>>)
      tpu.yield
    }) : () -> ()
    "tpu.region"() ({
      %run_scoped3A = tpu.sem_alloc : memref<!tpu.dma_semaphore, #tpu.memory_space<semaphore_mem>>
      %dma_start3A_37 = arith.constant 0 : i32
      %dma_start3A_38 = tpu.memref_slice %arg4[%mul3A_2, %dma_start3A_37] : memref<16384x32xf32, #tpu.memory_space<hbm>> -> memref<512x32xf32, #tpu.memory_space<hbm>>
      %dma_start3A_39 = arith.constant 0 : i32
      %dma_start3A_40 = tpu.memref_slice %arg4[%mul3A_2, %dma_start3A_39] : memref<16384x32xf32, #tpu.memory_space<hbm>> -> memref<512x32xf32, #tpu.memory_space<hbm>>
      tpu.enqueue_dma source(%dma_start3A_40 : memref<512x32xf32, #tpu.memory_space<hbm>>) target(%arg8 : memref<512x32xf32, #tpu.memory_space<vmem>>) target_semaphore(%run_scoped3A : memref<!tpu.dma_semaphore, #tpu.memory_space<semaphore_mem>>)
      %dma_wait3A_41 = arith.constant 0 : i32
      %dma_wait3A_42 = tpu.memref_slice %arg4[%mul3A_2, %dma_wait3A_41] : memref<16384x32xf32, #tpu.memory_space<hbm>> -> memref<512x32xf32, #tpu.memory_space<hbm>>
      %dma_wait3A_43 = arith.constant 0 : i32
      %dma_wait3A_44 = tpu.memref_slice %arg4[%mul3A_2, %dma_wait3A_43] : memref<16384x32xf32, #tpu.memory_space<hbm>> -> memref<512x32xf32, #tpu.memory_space<hbm>>
      tpu.wait_dma2 semaphore(%run_scoped3A : memref<!tpu.dma_semaphore, #tpu.memory_space<semaphore_mem>>) src(%dma_wait3A_44 : memref<512x32xf32, #tpu.memory_space<hbm>>) dst(%arg8 : memref<512x32xf32, #tpu.memory_space<vmem>>)
      tpu.yield
    }) : () -> ()
    %broadcast_in_dim3A = arith.constant 0.000000e+00 : f32
    %broadcast_in_dim3A_3 = vector.broadcast %broadcast_in_dim3A : f32 to vector<16xf32>
    %dma_start3A = arith.constant 0 : i32
    %dma_start3A_4 = tpu.memref_slice %arg7[%dma_start3A] : memref<512xi32, #tpu.memory_space<vmem>> -> memref<256xi32, #tpu.memory_space<vmem>>
    %dma_start3A_5 = arith.constant 0 : i32
    %dma_start3A_6 = arith.constant 0 : i32
    %dma_start3A_7 = tpu.memref_slice %arg2[%dma_start3A_5, %dma_start3A_6] : memref<8192x128xf32, #tpu.memory_space<hbm>> -> memref<8192x128xf32, #tpu.memory_space<hbm>>
    tpu.enqueue_indirect_dma source(%dma_start3A_7 : memref<8192x128xf32, #tpu.memory_space<hbm>>) target(%arg9 : memref<256x128xf32, #tpu.memory_space<vmem>>) offsets(%dma_start3A_4 : memref<256xi32, #tpu.memory_space<vmem>>) semaphore(%arg11 : memref<!tpu.dma_semaphore, #tpu.memory_space<semaphore_mem>>)
    %dma_wait3A = arith.constant 0 : i32
    %dma_wait3A_8 = tpu.memref_slice %arg7[%dma_wait3A] : memref<512xi32, #tpu.memory_space<vmem>> -> memref<256xi32, #tpu.memory_space<vmem>>
    %dma_wait3A_9 = arith.constant 0 : i32
    %dma_wait3A_10 = arith.constant 0 : i32
    %dma_wait3A_11 = tpu.memref_slice %arg2[%dma_wait3A_9, %dma_wait3A_10] : memref<8192x128xf32, #tpu.memory_space<hbm>> -> memref<8192x128xf32, #tpu.memory_space<hbm>>
    tpu.wait_indirect_dma semaphore(%arg11 : memref<!tpu.dma_semaphore, #tpu.memory_space<semaphore_mem>>) src(%dma_wait3A_11 : memref<8192x128xf32, #tpu.memory_space<hbm>>) dst(%arg9 : memref<256x128xf32, #tpu.memory_space<vmem>>)
    %scan3A = arith.constant 0 : i32
    %scan3A_12 = arith.constant 256 : i32
    %scan3A_13 = arith.addi %scan3A, %scan3A_12 : i32
    %scan3A_14 = arith.constant 1 : i32
    %scan3A_15:2 = scf.for %scan3A_37 = %scan3A to %scan3A_13 step %scan3A_14 iter_args(%scan3A_38 = %broadcast_in_dim3A_3, %scan3A_39 = %broadcast_in_dim3A_3) -> (vector<16xf32>, vector<16xf32>)  : i32 {
      %get3A = arith.index_cast %scan3A_37 : i32 to index
      %get3A_40 = arith.constant 0 : index
      %get3A_41 = tpu.vector_load %arg9[%get3A, %get3A_40] {strides = array<i32>} : memref<256x128xf32, #tpu.memory_space<vmem>>, vector<1x16xf32>,
      %get3A_42 = vector.shape_cast %get3A_41 : vector<1x16xf32> to vector<16xf32>
      %add3A_43 = arith.constant 0 : i32
      %add3A_44 = arith.addi %add3A_43, %scan3A_37 : i32
      %get3A_45 = arith.index_cast %add3A_44 : i32 to index
      %get3A_46 = arith.constant 0 : index
      %get3A_47 = tpu.vector_load %arg8[%get3A_45, %get3A_46] {strides = array<i32>} : memref<512x32xf32, #tpu.memory_space<vmem>>, vector<1x16xf32>,
      %get3A_48 = vector.shape_cast %get3A_47 : vector<1x16xf32> to vector<16xf32>
      %sub3A = arith.subf %get3A_42, %get3A_48 : vector<16xf32>
      %add3A_49 = arith.addf %get3A_48, %sub3A : vector<16xf32>
      %add3A_50 = arith.constant 0 : i32
      %add3A_51 = arith.addi %add3A_50, %scan3A_37 : i32
      %swap3A_52 = arith.index_cast %add3A_51 : i32 to index
      %swap3A_53 = arith.constant 0 : index
      %swap3A_54 = tpu.vector_load %arg8[%swap3A_52, %swap3A_53] {strides = array<i32>} : memref<512x32xf32, #tpu.memory_space<vmem>>, vector<1x16xf32>,
      %swap3A_55 = vector.shape_cast %swap3A_54 : vector<1x16xf32> to vector<16xf32>
      %swap3A_56 = vector.shape_cast %add3A_49 : vector<16xf32> to vector<1x16xf32>
      tpu.vector_store %arg8[%swap3A_52, %swap3A_53], %swap3A_56 {strides = array<i32>} : memref<512x32xf32, #tpu.memory_space<vmem>>, vector<1x16xf32>,
      %sub3A_57 = arith.subf %get3A_48, %get3A_42 : vector<16xf32>
      %get3A_58 = arith.index_cast %scan3A_37 : i32 to index
      %get3A_59 = arith.constant 16 : index
      %get3A_60 = tpu.vector_load %arg9[%get3A_58, %get3A_59] {strides = array<i32>} : memref<256x128xf32, #tpu.memory_space<vmem>>, vector<1x16xf32>,
      %get3A_61 = vector.shape_cast %get3A_60 : vector<1x16xf32> to vector<16xf32>
      %add3A_62 = arith.constant 0 : i32
      %add3A_63 = arith.addi %add3A_62, %scan3A_37 : i32
      %get3A_64 = arith.index_cast %add3A_63 : i32 to index
      %get3A_65 = arith.constant 16 : index
      %get3A_66 = tpu.vector_load %arg8[%get3A_64, %get3A_65] {strides = array<i32>} : memref<512x32xf32, #tpu.memory_space<vmem>>, vector<1x16xf32>,
      %get3A_67 = vector.shape_cast %get3A_66 : vector<1x16xf32> to vector<16xf32>
      %sub3A_68 = arith.subf %get3A_61, %get3A_67 : vector<16xf32>
      %add3A_69 = arith.addf %get3A_67, %sub3A_68 : vector<16xf32>
      %add3A_70 = arith.constant 0 : i32
      %add3A_71 = arith.addi %add3A_70, %scan3A_37 : i32
      %swap3A_72 = arith.index_cast %add3A_71 : i32 to index
      %swap3A_73 = arith.constant 16 : index
      %swap3A_74 = tpu.vector_load %arg8[%swap3A_72, %swap3A_73] {strides = array<i32>} : memref<512x32xf32, #tpu.memory_space<vmem>>, vector<1x16xf32>,
      %swap3A_75 = vector.shape_cast %swap3A_74 : vector<1x16xf32> to vector<16xf32>
      %swap3A_76 = vector.shape_cast %add3A_69 : vector<16xf32> to vector<1x16xf32>
      tpu.vector_store %arg8[%swap3A_72, %swap3A_73], %swap3A_76 {strides = array<i32>} : memref<512x32xf32, #tpu.memory_space<vmem>>, vector<1x16xf32>,
      %sub3A_77 = arith.subf %get3A_67, %get3A_61 : vector<16xf32>
      %mul3A_78 = arith.mulf %sub3A_57, %sub3A_57 : vector<16xf32>
      %add3A_79 = arith.addf %scan3A_38, %mul3A_78 : vector<16xf32>
      %mul3A_80 = arith.mulf %sub3A_77, %sub3A_77 : vector<16xf32>
      %add3A_81 = arith.addf %scan3A_39, %mul3A_80 : vector<16xf32>
      scf.yield %add3A_79, %add3A_81 : vector<16xf32>, vector<16xf32>
    }
    %scan3A_16 = arith.constant 256 : i32
    %dma_start3A_17 = arith.constant 256 : i32
    %dma_start3A_18 = tpu.memref_slice %arg7[%dma_start3A_17] : memref<512xi32, #tpu.memory_space<vmem>> -> memref<256xi32, #tpu.memory_space<vmem>>
    %dma_start3A_19 = arith.constant 0 : i32
    %dma_start3A_20 = arith.constant 0 : i32
    %dma_start3A_21 = tpu.memref_slice %arg2[%dma_start3A_19, %dma_start3A_20] : memref<8192x128xf32, #tpu.memory_space<hbm>> -> memref<8192x128xf32, #tpu.memory_space<hbm>>
    tpu.enqueue_indirect_dma source(%dma_start3A_21 : memref<8192x128xf32, #tpu.memory_space<hbm>>) target(%arg9 : memref<256x128xf32, #tpu.memory_space<vmem>>) offsets(%dma_start3A_18 : memref<256xi32, #tpu.memory_space<vmem>>) semaphore(%arg11 : memref<!tpu.dma_semaphore, #tpu.memory_space<semaphore_mem>>)
    %dma_wait3A_22 = arith.constant 256 : i32
    %dma_wait3A_23 = tpu.memref_slice %arg7[%dma_wait3A_22] : memref<512xi32, #tpu.memory_space<vmem>> -> memref<256xi32, #tpu.memory_space<vmem>>
    %dma_wait3A_24 = arith.constant 0 : i32
    %dma_wait3A_25 = arith.constant 0 : i32
    %dma_wait3A_26 = tpu.memref_slice %arg2[%dma_wait3A_24, %dma_wait3A_25] : memref<8192x128xf32, #tpu.memory_space<hbm>> -> memref<8192x128xf32, #tpu.memory_space<hbm>>
    tpu.wait_indirect_dma semaphore(%arg11 : memref<!tpu.dma_semaphore, #tpu.memory_space<semaphore_mem>>) src(%dma_wait3A_26 : memref<8192x128xf32, #tpu.memory_space<hbm>>) dst(%arg9 : memref<256x128xf32, #tpu.memory_space<vmem>>)
    %scan3A_27 = arith.constant 0 : i32
    %scan3A_28 = arith.constant 256 : i32
    %scan3A_29 = arith.addi %scan3A_27, %scan3A_28 : i32
    %scan3A_30 = arith.constant 1 : i32
    %scan3A_31:2 = scf.for %scan3A_37 = %scan3A_27 to %scan3A_29 step %scan3A_30 iter_args(%scan3A_38 = %scan3A_15#0, %scan3A_39 = %scan3A_15#1) -> (vector<16xf32>, vector<16xf32>)  : i32 {
      %get3A = arith.index_cast %scan3A_37 : i32 to index
      %get3A_40 = arith.constant 0 : index
      %get3A_41 = tpu.vector_load %arg9[%get3A, %get3A_40] {strides = array<i32>} : memref<256x128xf32, #tpu.memory_space<vmem>>, vector<1x16xf32>,
      %get3A_42 = vector.shape_cast %get3A_41 : vector<1x16xf32> to vector<16xf32>
      %add3A_43 = arith.constant 256 : i32
      %add3A_44 = arith.addi %add3A_43, %scan3A_37 : i32
      %get3A_45 = arith.index_cast %add3A_44 : i32 to index
      %get3A_46 = arith.constant 0 : index
      %get3A_47 = tpu.vector_load %arg8[%get3A_45, %get3A_46] {strides = array<i32>} : memref<512x32xf32, #tpu.memory_space<vmem>>, vector<1x16xf32>,
      %get3A_48 = vector.shape_cast %get3A_47 : vector<1x16xf32> to vector<16xf32>
      %sub3A = arith.subf %get3A_42, %get3A_48 : vector<16xf32>
      %add3A_49 = arith.addf %get3A_48, %sub3A : vector<16xf32>
      %add3A_50 = arith.constant 256 : i32
      %add3A_51 = arith.addi %add3A_50, %scan3A_37 : i32
      %swap3A_52 = arith.index_cast %add3A_51 : i32 to index
      %swap3A_53 = arith.constant 0 : index
      %swap3A_54 = tpu.vector_load %arg8[%swap3A_52, %swap3A_53] {strides = array<i32>} : memref<512x32xf32, #tpu.memory_space<vmem>>, vector<1x16xf32>,
      %swap3A_55 = vector.shape_cast %swap3A_54 : vector<1x16xf32> to vector<16xf32>
      %swap3A_56 = vector.shape_cast %add3A_49 : vector<16xf32> to vector<1x16xf32>
      tpu.vector_store %arg8[%swap3A_52, %swap3A_53], %swap3A_56 {strides = array<i32>} : memref<512x32xf32, #tpu.memory_space<vmem>>, vector<1x16xf32>,
      %sub3A_57 = arith.subf %get3A_48, %get3A_42 : vector<16xf32>
      %get3A_58 = arith.index_cast %scan3A_37 : i32 to index
      %get3A_59 = arith.constant 16 : index
      %get3A_60 = tpu.vector_load %arg9[%get3A_58, %get3A_59] {strides = array<i32>} : memref<256x128xf32, #tpu.memory_space<vmem>>, vector<1x16xf32>,
      %get3A_61 = vector.shape_cast %get3A_60 : vector<1x16xf32> to vector<16xf32>
      %add3A_62 = arith.constant 256 : i32
      %add3A_63 = arith.addi %add3A_62, %scan3A_37 : i32
      %get3A_64 = arith.index_cast %add3A_63 : i32 to index
      %get3A_65 = arith.constant 16 : index
      %get3A_66 = tpu.vector_load %arg8[%get3A_64, %get3A_65] {strides = array<i32>} : memref<512x32xf32, #tpu.memory_space<vmem>>, vector<1x16xf32>,
      %get3A_67 = vector.shape_cast %get3A_66 : vector<1x16xf32> to vector<16xf32>
      %sub3A_68 = arith.subf %get3A_61, %get3A_67 : vector<16xf32>
      %add3A_69 = arith.addf %get3A_67, %sub3A_68 : vector<16xf32>
      %add3A_70 = arith.constant 256 : i32
      %add3A_71 = arith.addi %add3A_70, %scan3A_37 : i32
      %swap3A_72 = arith.index_cast %add3A_71 : i32 to index
      %swap3A_73 = arith.constant 16 : index
      %swap3A_74 = tpu.vector_load %arg8[%swap3A_72, %swap3A_73] {strides = array<i32>} : memref<512x32xf32, #tpu.memory_space<vmem>>, vector<1x16xf32>,
      %swap3A_75 = vector.shape_cast %swap3A_74 : vector<1x16xf32> to vector<16xf32>
      %swap3A_76 = vector.shape_cast %add3A_69 : vector<16xf32> to vector<1x16xf32>
      tpu.vector_store %arg8[%swap3A_72, %swap3A_73], %swap3A_76 {strides = array<i32>} : memref<512x32xf32, #tpu.memory_space<vmem>>, vector<1x16xf32>,
      %sub3A_77 = arith.subf %get3A_67, %get3A_61 : vector<16xf32>
      %mul3A_78 = arith.mulf %sub3A_57, %sub3A_57 : vector<16xf32>
      %add3A_79 = arith.addf %scan3A_38, %mul3A_78 : vector<16xf32>
      %mul3A_80 = arith.mulf %sub3A_77, %sub3A_77 : vector<16xf32>
      %add3A_81 = arith.addf %scan3A_39, %mul3A_80 : vector<16xf32>
      scf.yield %add3A_79, %add3A_81 : vector<16xf32>, vector<16xf32>
    }
    %scan3A_32 = arith.constant 256 : i32
    %add3A_33 = arith.addf %scan3A_31#0, %scan3A_31#1 : vector<16xf32>
    %swap3A = arith.constant 0 : index
    %swap3A_34 = tpu.vector_load %arg10[%swap3A] {strides = array<i32>} : memref<16xf32, #tpu.memory_space<vmem>>, vector<16xf32>,
    %swap3A_35 = vector.shape_cast %swap3A_34 : vector<16xf32> to vector<16xf32>
    %swap3A_36 = vector.shape_cast %add3A_33 : vector<16xf32> to vector<16xf32>
    tpu.vector_store %arg10[%swap3A], %swap3A_36 {strides = array<i32>} : memref<16xf32, #tpu.memory_space<vmem>>, vector<16xf32>,
    "tpu.region"() ({
      %run_scoped3A = tpu.sem_alloc : memref<!tpu.dma_semaphore, #tpu.memory_space<semaphore_mem>>
      %dma_start3A_37 = arith.constant 0 : i32
      %dma_start3A_38 = tpu.memref_slice %arg5[%mul3A_2, %dma_start3A_37] : memref<16384x32xf32, #tpu.memory_space<hbm>> -> memref<512x32xf32, #tpu.memory_space<hbm>>
      %dma_start3A_39 = arith.constant 0 : i32
      %dma_start3A_40 = tpu.memref_slice %arg5[%mul3A_2, %dma_start3A_39] : memref<16384x32xf32, #tpu.memory_space<hbm>> -> memref<512x32xf32, #tpu.memory_space<hbm>>
      tpu.enqueue_dma source(%arg8 : memref<512x32xf32, #tpu.memory_space<vmem>>) target(%dma_start3A_40 : memref<512x32xf32, #tpu.memory_space<hbm>>) target_semaphore(%run_scoped3A : memref<!tpu.dma_semaphore, #tpu.memory_space<semaphore_mem>>)
      %dma_wait3A_41 = arith.constant 0 : i32
      %dma_wait3A_42 = tpu.memref_slice %arg5[%mul3A_2, %dma_wait3A_41] : memref<16384x32xf32, #tpu.memory_space<hbm>> -> memref<512x32xf32, #tpu.memory_space<hbm>>
      %dma_wait3A_43 = arith.constant 0 : i32
      %dma_wait3A_44 = tpu.memref_slice %arg5[%mul3A_2, %dma_wait3A_43] : memref<16384x32xf32, #tpu.memory_space<hbm>> -> memref<512x32xf32, #tpu.memory_space<hbm>>
      tpu.wait_dma2 semaphore(%run_scoped3A : memref<!tpu.dma_semaphore, #tpu.memory_space<semaphore_mem>>) src(%arg8 : memref<512x32xf32, #tpu.memory_space<vmem>>) dst(%dma_wait3A_44 : memref<512x32xf32, #tpu.memory_space<hbm>>)
      tpu.yield
    }) : () -> ()
    "tpu.region"() ({
      %run_scoped3A = tpu.sem_alloc : memref<!tpu.dma_semaphore, #tpu.memory_space<semaphore_mem>>
      %dma_start3A_37 = arith.constant 0 : i32
      %dma_start3A_38 = tpu.memref_slice %arg6[%add3A, %dma_start3A_37] : memref<32x16xf32, #tpu.memory_space<hbm>> -> memref<1x16xf32, #tpu.memory_space<hbm>>
      %dma_start3A_39 = tpu.memref_squeeze %dma_start3A_38 : memref<1x16xf32, #tpu.memory_space<hbm>> -> memref<16xf32, #tpu.memory_space<hbm>>
      %dma_start3A_40 = arith.constant 0 : i32
      %dma_start3A_41 = tpu.memref_slice %arg6[%add3A, %dma_start3A_40] : memref<32x16xf32, #tpu.memory_space<hbm>> -> memref<1x16xf32, #tpu.memory_space<hbm>>
      %dma_start3A_42 = tpu.memref_squeeze %dma_start3A_41 : memref<1x16xf32, #tpu.memory_space<hbm>> -> memref<16xf32, #tpu.memory_space<hbm>>
      tpu.enqueue_dma source(%arg10 : memref<16xf32, #tpu.memory_space<vmem>>) target(%dma_start3A_42 : memref<16xf32, #tpu.memory_space<hbm>>) target_semaphore(%run_scoped3A : memref<!tpu.dma_semaphore, #tpu.memory_space<semaphore_mem>>)
      %dma_wait3A_43 = arith.constant 0 : i32
      %dma_wait3A_44 = tpu.memref_slice %arg6[%add3A, %dma_wait3A_43] : memref<32x16xf32, #tpu.memory_space<hbm>> -> memref<1x16xf32, #tpu.memory_space<hbm>>
      %dma_wait3A_45 = tpu.memref_squeeze %dma_wait3A_44 : memref<1x16xf32, #tpu.memory_space<hbm>> -> memref<16xf32, #tpu.memory_space<hbm>>
      %dma_wait3A_46 = arith.constant 0 : i32
      %dma_wait3A_47 = tpu.memref_slice %arg6[%add3A, %dma_wait3A_46] : memref<32x16xf32, #tpu.memory_space<hbm>> -> memref<1x16xf32, #tpu.memory_space<hbm>>
      %dma_wait3A_48 = tpu.memref_squeeze %dma_wait3A_47 : memref<1x16xf32, #tpu.memory_space<hbm>> -> memref<16xf32, #tpu.memory_space<hbm>>
      tpu.wait_dma2 semaphore(%run_scoped3A : memref<!tpu.dma_semaphore, #tpu.memory_space<semaphore_mem>>) src(%arg10 : memref<16xf32, #tpu.memory_space<vmem>>) dst(%dma_wait3A_48 : memref<16xf32, #tpu.memory_space<hbm>>)
      tpu.yield
    }) : () -> ()
    return
  }
}

module attributes {stable_mosaic.version = 14 : i64} {
  func.func @_argmin_body(%arg0: i32, %arg1: memref<8192x32xf32, #tpu.memory_space<vmem>>, %arg2: memref<32x1024xf32, #tpu.memory_space<vmem>>, %arg3: memref<1x1x1024xi32, #tpu.memory_space<vmem>>) attributes {dimension_semantics = [#tpu.dimension_semantics<arbitrary>], iteration_bounds = array<i64: 16>, scalar_prefetch = 0 : i64, scratch_operands = 0 : i64, tpu.core_type = #tpu.core_type<tc>, window_params = [{pipeline_mode = #tpu.pipeline_mode<synchronous>, transform_indices = @transform_0, window_bounds = array<i64: 8192, 32>}, {transform_indices = @transform_1, window_bounds = array<i64: 32, 1024>}, {transform_indices = @transform_2, window_bounds = array<i64: 1, 1, 1024>}]} {
    %get3A = arith.constant 0 : index
    %get3A_0 = arith.constant 0 : index
    %get3A_1 = vector.load %arg2[%get3A, %get3A_0] : memref<32x1024xf32, #tpu.memory_space<vmem>>, vector<32x1024xf32>
    %add3A = arith.addf %get3A_1, %get3A_1 : vector<32x1024xf32>
    %mul3A = arith.mulf %get3A_1, %get3A_1 : vector<32x1024xf32>
    %reduce_sum3A = arith.constant dense<0.000000e+00> : vector<1024xf32>
    %reduce_sum3A_2 = vector.multi_reduction <add>, %mul3A, %reduce_sum3A [0] : vector<32x1024xf32> to vector<1024xf32>
    %broadcast_in_dim3A = vector.shape_cast %reduce_sum3A_2 : vector<1024xf32> to vector<1x1024xf32>
    %iota3A = tpu.iota {dimensions = array<i32: 0>} : vector<4096x1024xi32>
    %convert_element_type3A = arith.sitofp %iota3A : vector<4096x1024xi32> to vector<4096x1024xf32>
    %get3A_3 = arith.constant 0 : index
    %get3A_4 = arith.constant 0 : index
    %get3A_5 = vector.load %arg1[%get3A_3, %get3A_4] : memref<8192x32xf32, #tpu.memory_space<vmem>>, vector<4096x32xf32>
    %mul3A_6 = arith.mulf %get3A_5, %get3A_5 : vector<4096x32xf32>
    %reduce_sum3A_7 = arith.constant dense<0.000000e+00> : vector<4096xf32>
    %reduce_sum3A_8 = vector.multi_reduction <add>, %mul3A_6, %reduce_sum3A_7 [1] : vector<4096x32xf32> to vector<4096xf32>
    %broadcast_in_dim3A_9 = vector.shape_cast %reduce_sum3A_8 : vector<4096xf32> to vector<4096x1xf32>
    %dot_general3A = arith.constant dense<0.000000e+00> : vector<4096x1024xf32>
    %dot_general3A_10 = tpu.matmul %get3A_5, %add3A, %dot_general3A {dimension_numbers = #tpu.dot_dimension_numbers<[1], [0], [0], [1], [0, 0, 1, 1], [], []>, transpose_lhs_hint = false} : vector<4096x32xf32>, vector<32x1024xf32>, vector<4096x1024xf32> -> vector<4096x1024xf32>
    %add3A_11 = vector.broadcast %broadcast_in_dim3A : vector<1x1024xf32> to vector<4096x1024xf32>
    %add3A_12 = vector.broadcast %broadcast_in_dim3A_9 : vector<4096x1xf32> to vector<4096x1024xf32>
    %add3A_13 = arith.addf %add3A_11, %add3A_12 : vector<4096x1024xf32>
    %sub3A = arith.subf %add3A_13, %dot_general3A_10 : vector<4096x1024xf32>
    %reduce_min3A = arith.constant dense<0x7F800000> : vector<1024xf32>
    %reduce_min3A_14 = vector.multi_reduction <minimumf>, %sub3A, %reduce_min3A [0] : vector<4096x1024xf32> to vector<1024xf32>
    %broadcast_in_dim3A_15 = vector.shape_cast %reduce_min3A_14 : vector<1024xf32> to vector<1x1024xf32>
    %eq3A = vector.broadcast %broadcast_in_dim3A_15 : vector<1x1024xf32> to vector<4096x1024xf32>
    %eq3A_16 = arith.cmpf oeq, %sub3A, %eq3A : vector<4096x1024xf32>
    %jit3A = arith.constant 1.07374182E+9 : f32
    %broadcast_in_dim3A_17 = vector.broadcast %jit3A : f32 to vector<4096x1024xf32>
    %select_n3A = arith.select %eq3A_16, %convert_element_type3A, %broadcast_in_dim3A_17 : vector<4096x1024xi1>, vector<4096x1024xf32>
    %reduce_min3A_18 = arith.constant dense<0x7F800000> : vector<1024xf32>
    %reduce_min3A_19 = vector.multi_reduction <minimumf>, %select_n3A, %reduce_min3A_18 [0] : vector<4096x1024xf32> to vector<1024xf32>
    %broadcast_in_dim3A_20 = vector.shape_cast %reduce_min3A_19 : vector<1024xf32> to vector<1x1024xf32>
    %add3A_21 = arith.constant 0.000000e+00 : f32
    %add3A_22 = vector.broadcast %add3A_21 : f32 to vector<1x1024xf32>
    %add3A_23 = arith.addf %broadcast_in_dim3A_20, %add3A_22 : vector<1x1024xf32>
    %convert_element_type3A_24 = arith.truncf %broadcast_in_dim3A_15 : vector<1x1024xf32> to vector<1x1024xbf16>
    %convert_element_type3A_25 = arith.extf %convert_element_type3A_24 : vector<1x1024xbf16> to vector<1x1024xf32>
    %get3A_26 = arith.constant 4096 : index
    %get3A_27 = arith.constant 0 : index
    %get3A_28 = vector.load %arg1[%get3A_26, %get3A_27] : memref<8192x32xf32, #tpu.memory_space<vmem>>, vector<4096x32xf32>
    %mul3A_29 = arith.mulf %get3A_28, %get3A_28 : vector<4096x32xf32>
    %reduce_sum3A_30 = arith.constant dense<0.000000e+00> : vector<4096xf32>
    %reduce_sum3A_31 = vector.multi_reduction <add>, %mul3A_29, %reduce_sum3A_30 [1] : vector<4096x32xf32> to vector<4096xf32>
    %broadcast_in_dim3A_32 = vector.shape_cast %reduce_sum3A_31 : vector<4096xf32> to vector<4096x1xf32>
    %dot_general3A_33 = arith.constant dense<0.000000e+00> : vector<4096x1024xf32>
    %dot_general3A_34 = tpu.matmul %get3A_28, %add3A, %dot_general3A_33 {dimension_numbers = #tpu.dot_dimension_numbers<[1], [0], [0], [1], [0, 0, 1, 1], [], []>, transpose_lhs_hint = false} : vector<4096x32xf32>, vector<32x1024xf32>, vector<4096x1024xf32> -> vector<4096x1024xf32>
    %add3A_35 = vector.broadcast %broadcast_in_dim3A : vector<1x1024xf32> to vector<4096x1024xf32>
    %add3A_36 = vector.broadcast %broadcast_in_dim3A_32 : vector<4096x1xf32> to vector<4096x1024xf32>
    %add3A_37 = arith.addf %add3A_35, %add3A_36 : vector<4096x1024xf32>
    %sub3A_38 = arith.subf %add3A_37, %dot_general3A_34 : vector<4096x1024xf32>
    %reduce_min3A_39 = arith.constant dense<0x7F800000> : vector<1024xf32>
    %reduce_min3A_40 = vector.multi_reduction <minimumf>, %sub3A_38, %reduce_min3A_39 [0] : vector<4096x1024xf32> to vector<1024xf32>
    %broadcast_in_dim3A_41 = vector.shape_cast %reduce_min3A_40 : vector<1024xf32> to vector<1x1024xf32>
    %eq3A_42 = vector.broadcast %broadcast_in_dim3A_41 : vector<1x1024xf32> to vector<4096x1024xf32>
    %eq3A_43 = arith.cmpf oeq, %sub3A_38, %eq3A_42 : vector<4096x1024xf32>
    %jit3A_44 = arith.constant 1.07374182E+9 : f32
    %broadcast_in_dim3A_45 = vector.broadcast %jit3A_44 : f32 to vector<4096x1024xf32>
    %select_n3A_46 = arith.select %eq3A_43, %convert_element_type3A, %broadcast_in_dim3A_45 : vector<4096x1024xi1>, vector<4096x1024xf32>
    %reduce_min3A_47 = arith.constant dense<0x7F800000> : vector<1024xf32>
    %reduce_min3A_48 = vector.multi_reduction <minimumf>, %select_n3A_46, %reduce_min3A_47 [0] : vector<4096x1024xf32> to vector<1024xf32>
    %broadcast_in_dim3A_49 = vector.shape_cast %reduce_min3A_48 : vector<1024xf32> to vector<1x1024xf32>
    %add3A_50 = arith.constant 4.096000e+03 : f32
    %add3A_51 = vector.broadcast %add3A_50 : f32 to vector<1x1024xf32>
    %add3A_52 = arith.addf %broadcast_in_dim3A_49, %add3A_51 : vector<1x1024xf32>
    %lt3A = arith.cmpf olt, %broadcast_in_dim3A_41, %convert_element_type3A_25 : vector<1x1024xf32>
    %select_n3A_53 = arith.select %lt3A, %add3A_52, %add3A_23 : vector<1x1024xi1>, vector<1x1024xf32>
    %convert_element_type3A_54 = arith.fptosi %select_n3A_53 : vector<1x1024xf32> to vector<1x1024xi32>
    %reshape3A = vector.shape_cast %convert_element_type3A_54 : vector<1x1024xi32> to vector<1x1x1024xi32>
    %swap3A = arith.constant 0 : index
    %swap3A_55 = arith.constant 0 : index
    %swap3A_56 = arith.constant 0 : index
    %swap3A_57 = vector.load %arg3[%swap3A, %swap3A_55, %swap3A_56] : memref<1x1x1024xi32, #tpu.memory_space<vmem>>, vector<1x1x1024xi32>
    tpu.vector_store %arg3[%swap3A, %swap3A_55, %swap3A_56], %reshape3A {strides = array<i32>} : memref<1x1x1024xi32, #tpu.memory_space<vmem>>, vector<1x1x1024xi32>,
    return
  }
  func.func @transform_0(%arg0: i32) -> (i32, i32) {
    %c0_i32 = arith.constant 0 : i32
    %c0_i32_0 = arith.constant 0 : i32
    %c0_i32_1 = arith.constant 0 : i32
    return %c0_i32, %c0_i32_0 : i32, i32
  }
  func.func @transform_1(%arg0: i32) -> (i32, i32) {
    %c0_i32 = arith.constant 0 : i32
    %c0_i32_0 = arith.constant 0 : i32
    return %c0_i32, %arg0 : i32, i32
  }
  func.func @transform_2(%arg0: i32) -> (i32, i32, i32) {
    %c0_i32 = arith.constant 0 : i32
    %c0_i32_0 = arith.constant 0 : i32
    %c0_i32_1 = arith.constant 0 : i32
    return %arg0, %c0_i32, %c0_i32_0 : i32, i32, i32
  }
}

</mosaic_0001>

<sc_bundles>
// kernel: kernel.4.cloned.1.call-start
scs
__scs_entry_jumppad:
0x0: {  	(pc) =	sbr.rel $0x88, $3  }
0x1: {  	(tag) =	ssettag $0x0;
	lr =	simm.s32 $0x1  }
0x2: {  	[smem:$0x3F9F] =	sst lr;
	_ =	strace $0xD0000000  }
0x3: {  	_ = 	snop  }
0x4: {  	_ = 	snop  }
0x5: {  	_ = 	snop  }
0x6: {  	_ = 	snop  }
0x7: {  	_ = 	snop  }
__scs_overlays_trampoline_lowered:
0x8: {  	[smem:$0x3FAE] =	sst s0  }
0x9: {  	[smem:$0x3FAF] =	sst s1  }
0xa: {  	[smem:$0x3FB0] =	sst s2  }
0xb: {  	[smem:$0x3FB1] =	sst s3  }
0xc: {  	[smem:$0x3FB2] =	sst s4  }
0xd: {  	[smem:$0x3FB3] =	sst s5  }
0xe: {  	[smem:$0x3FB4] =	sst s6  }
0xf: {  	[smem:$0x3FB5] =	sst s7  }
0x10: {  	[smem:$0x3FB6] =	sst s8  }
0x11: {  	[smem:$0x3FB7] =	sst s9;
	s0 =	simm.s32 @!p0 $0x0  }
0x12: {  	s1 =	sld [smem:$0x3F9D];
	s0 =	simm.s32 @p0 $0x1  }
0x13: {  	[smem:$0x3FB8] =	sst s0;
	s0 =	simm.s32 @!p1 $0x0  }
0x14: {  	s2 =	sld [smem:$0x3F9C];
	s0 =	simm.s32 @p1 $0x1  }
0x15: {  	[smem:$0x3FB9] =	sst s0;
	s0 =	simm.s32 @!p2 $0x0  }
0x16: {  	s3 =	sld [smem:$0x3FDB];
	s0 =	simm.s32 @p2 $0x1  }
0x17: {  	s4 =	simm.s32 $0x1BF5;
	[smem:$0x3FBB] =	sst s0  }
0x18: {  	s0 =	sld [smem:$0x3F9E];
	_ =	swait.ge [sflag:s4], $0x0  }
0x19: {  	s7 =	sld [smem:$0x3F9F]  }
0x1a: {  	s8 =	sadd.s32 $0xFFFFE003, lr  }
0x1b: {  	s9 =	sadd.s32 $0xFFFFFEF7, lr;
	s5 =	simm.s32 $0xFFFFFFFF;
	p2 =	slt.u32 s8, $0xFFFFF086  }
0x1c: {  	p1 =	slt.u32 s9, $0xF7A;
	s5 =	simm.s32 @!p2 $0x0  }
0x1d: {  	s5 =	simm.s32 @p1 $0x1;
	p0 =	seq.s32 s7, s2  }
0x1e: {  	s7 =	smul.u32 @!p0 $0xF7A, s2;
	p2 =	seq.s32 @!p0 s5, $0x0  }
0x1f: {  	s9 =	smul.u32 $0xF7A, s1;
	s8 =	simm.s32 @!p0 $0x1BF5;
	p2 =	por !p2, p0  }
0x20: {  	[sflag:s8] =	ssyncset.s32 @!p0 $0xFFFFF086;
	s6 =	sadd.s32 @!p0 s3, s7;
	s7 =	simm.s32 @!p0 $0x108  }
0x21: {  	s3 =	sadd.s32 s3, s9;
	s6 =	sadd.s32 @!p0 $0x88, s6;
	s7 =	simm.s32 @p2 $0x1082  }
0x22: {  	[simem:s7], [sflag:s8] =	dma.local @!p0 [hbm:s6], $0xF7A  }
0x23: {  	s9 =	sor.u32 $0xD0000000, s2;
	s6 =	simm.s32 $0x108;
	_ =	swait.ge @!p0 [sflag:s8], $0x0  }
0x24: {  	s3 =	sadd.s32 $0x88, s3;
	s6 =	simm.s32 @!p1 $0x1082;
	[sflag:s4] =	ssyncset.s32 $0xFFFFF086  }
0x25: {  	[simem:s6], [sflag:s4] =	dma.local [hbm:s3], $0xF7A  }
0x26: {  	[smem:$0x3F9F] =	sst s1;
	(tag) =	ssettag s2;
	_ =	strace s9  }
0x27: {  	s1 =	sld [smem:$0x3FAF]  }
0x28: {  	s2 =	sld [smem:$0x3FB0]  }
0x29: {  	s4 =	sld [smem:$0x3FB2]  }
0x2a: {  	p0 =	seq.s32 s5, $0x0;
	s5 =	sld [smem:$0x3FB3]  }
0x2b: {  	s6 =	sld [smem:$0x3FB4]  }
0x2c: {  	s7 =	sld [smem:$0x3FB5]  }
0x2d: {  	s3 =	simm.s32 $0x108;
	s8 =	sld [smem:$0x3FB6]  }
0x2e: {  	s3 =	simm.s32 @!p0 $0x1082;
	s9 =	sld [smem:$0x3FB7]  }
0x2f: {  	lr =	sadd.s32 s0, s3;
	s0 =	sld [smem:$0x3FAE]  }
0x30: {  	s3 =	sld [smem:$0x3FB1]  }
0x31: {  	[smem:$0x3FBA] =	sst s10  }
0x32: {  	s10 =	sld [smem:$0x3FB8];
	_ =	sdelay $0x3  }
0x33: {  	p0 =	seq.s32 s10, $0x1;
	s10 =	sld [smem:$0x3FBA];
	_ =	sdelay $0x3  }
0x34: {  	[smem:$0x3FBA] =	sst s10  }
0x35: {  	s10 =	sld [smem:$0x3FB9];
	_ =	sdelay $0x3  }
0x36: {  	p1 =	seq.s32 s10, $0x1;
	s10 =	sld [smem:$0x3FBA];
	_ =	sdelay $0x3  }
0x37: {  	[smem:$0x3FBA] =	sst s10  }
0x38: {  	s10 =	sld [smem:$0x3FBB]  }
0x39: {  	_ = 	snop;
	(pc) =	sbr.ind lr, $3  }
0x3a: {  	_ = 	snop  }
0x3b: {  	_ = 	snop  }
0x3c: {  	p2 =	seq.s32 s10, $0x1;
	s10 =	sld [smem:$0x3FBA]  }
0x3d: {  	_ =	shalt  }
0x3e: {  	_ =	shalt  }
0x3f: {  	_ =	shalt  }
0x40: {  	_ =	shalt  }
0x41: {  	_ =	shalt  }
0x42: {  	_ =	shalt  }
0x43: {  	_ =	shalt  }
0x44: {  	_ =	shalt  }
0x45: {  	_ =	shalt  }
0x46: {  	_ =	shalt  }
0x47: {  	_ =	shalt  }
0x48: {  	_ =	shalt  }
0x49: {  	_ =	shalt  }
0x4a: {  	_ =	shalt  }
0x4b: {  	_ =	shalt  }
0x4c: {  	_ =	shalt  }
0x4d: {  	_ =	shalt  }
0x4e: {  	_ =	shalt  }
0x4f: {  	_ =	shalt  }
0x50: {  	_ =	shalt  }
0x51: {  	_ =	shalt  }
0x52: {  	_ =	shalt  }
0x53: {  	_ =	shalt  }
0x54: {  	_ =	shalt  }
0x55: {  	_ =	shalt  }
0x56: {  	_ =	shalt  }
0x57: {  	_ =	shalt  }
0x58: {  	_ =	shalt  }
0x59: {  	_ =	shalt  }
0x5a: {  	_ =	shalt  }
0x5b: {  	_ =	shalt  }
0x5c: {  	_ =	shalt  }
0x5d: {  	_ =	shalt  }
0x5e: {  	_ =	shalt  }
0x5f: {  	_ =	shalt  }
0x60: {  	_ =	shalt  }
0x61: {  	_ =	shalt  }
0x62: {  	_ =	shalt  }
0x63: {  	_ =	shalt  }
0x64: {  	_ =	shalt  }
0x65: {  	_ =	shalt  }
0x66: {  	_ =	shalt  }
0x67: {  	_ =	shalt  }
0x68: {  	_ =	shalt  }
0x69: {  	_ =	shalt  }
0x6a: {  	_ =	shalt  }
0x6b: {  	_ =	shalt  }
0x6c: {  	_ =	shalt  }
0x6d: {  	_ =	shalt  }
0x6e: {  	_ =	shalt  }
0x6f: {  	_ =	shalt  }
0x70: {  	_ =	shalt  }
0x71: {  	_ =	shalt  }
0x72: {  	_ =	shalt  }
0x73: {  	_ =	shalt  }
0x74: {  	_ =	shalt  }
0x75: {  	_ =	shalt  }
0x76: {  	_ =	shalt  }
0x77: {  	_ =	shalt  }
0x78: {  	_ =	shalt  }
0x79: {  	_ =	shalt  }
0x7a: {  	_ =	shalt  }
0x7b: {  	_ =	shalt  }
0x7c: {  	_ =	shalt  }
0x7d: {  	_ =	shalt  }
0x7e: {  	_ =	shalt  }
0x7f: {  	_ =	shalt  }
0x80: {  	_ =	shalt  }
0x81: {  	_ =	shalt  }
0x82: {  	_ =	shalt  }
0x83: {  	_ =	shalt  }
0x84: {  	_ =	shalt  }
0x85: {  	_ =	shalt  }
0x86: {  	_ =	shalt  }
0x87: {  	_ =	shalt  }
.Lfunc_end0:
.L_simem_size_0:
called_computation_lowered:
.L_overlay_start_0:
0x88: {  	s2 =	sld [smem:$0x3FD9]  }
0x89: {  	s3 =	sld [smem:$0x3FFE];
	_ =	sdelay $0x1  }
0x8a: {  	s1 =	srdreg.scid  }
0x8b: {  	s0 =	sand.u32 $0x1, s1  }
0x8c: {  	s14 =	sshll.u32 s0, $0xA;
	s2 =	sadd.s32 s3, s2  }
0x8d: {  	s2 =	sadd.s32 s2, s14  }
0x8e: {  	[smem:$0x3FC6] =	sst s2  }
0x8f: {  	_ = 	snop  }
0x90: {  	s2 =	sld [smem:$0x3FD0];
	_ =	sdelay $0x2  }
0x91: {  	s15 =	simm.s32 $0xA;
	s4 =	simm.s32 $0x10  }
0x92: {  	[smem:s4], [sflag:s15] =	dma.local [hbm:s2], $0x1  }
0x93: {  	_ =	swait.eq [sflag:s15], $0x1  }
0x94: {  	[sflag:s15] =	ssyncset.done $0x0  }
0x95: {  	s16 =	sld [smem:$0x11];
	[sflag:s15] =	ssyncadd.s32 $0xFFFFFFFF  }
0x96: {  	s17 =	sld [smem:$0x12];
	(tm) =	ssettm $0x1  }
0x97: {  	s18 =	sld [smem:$0x3FFB];
	_ =	sdelay $0x3  }
0x98: {  	_ =	strace s18  }
0x99: {  	s4 =	sld [smem:$0x3FFC];
	_ =	sdelay $0x3  }
0x9a: {  	_ =	strace s4  }
0x9b: {  	s4 =	sld [smem:$0x3FFD];
	_ =	sdelay $0x3  }
0x9c: {  	_ =	strace s4  }
0x9d: {  	_ =	strace $0x8FFFFFFF  }
0x9e: {  	s19 =	sld [smem:$0x3FDB];
	_ =	sdelay $0x1  }
0x9f: {  	s5 =	simm.s32 $_scs_section_size  }
0xa0: {  	s6 =	simm.s32 $_size__tile_overlayer_lowered;
	s7 =	simm.s32 $_tile_overlayer_lowered  }
0xa1: {  	s22 =	simm.s32 $0x1BFF;
	s21 =	sshll.u32 s7, $0x1;
	s4 =	sadd.s32 s5, s19  }
0xa2: {  	s8 =	simm.s32 $0x0;
	s20 =	sshll.u32 s6, $0x1;
	s6 =	sadd.s32 s21, s4  }
0xa3: {  	[timem:s8], [sflag:s22] =	dma.local [hbm:s6], s20  }
0xa4: {  	_ =	swait.ge [sflag:s22], s20  }
0xa5: {  	s5 =	ssub.s32 $0x0, s20;
	[sflag:s22] =	ssyncset.done $0x0  }
0xa6: {  	[sflag:s22] =	ssyncadd.s32 s5;
	_ =	sdelay $0x1  }
0xa7: {  	s23 =	simm.s32 $0x1B8B  }
0xa8: {  	_ =	swait.ge [sflag:s23], $0x1  }
0xa9: {  	[sflag:s23] =	ssyncset.done $0x0  }
0xaa: {  	s25 =	simm.s32 $0x1B8E;
	s24 =	sld [smem:$0x3FFE];
	[sflag:s23] =	ssyncadd.s32 $0xFFFFFFFF  }
0xab: {  	s26 =	simm.s32 $execute0_lowered;
	[smem:$0x3FD2] =	sst s25  }
0xac: {  	s6 =	sshll.u32 s26, $0x1;
	_ =	strace $0x80000046;
	[dreg:$0x1] =	wrdreg $0xFFFFFFFF  }
0xad: {  	s28 =	simm.s32 $_size_execute0_lowered;
	s4 =	sadd.s32 s4, s6;
	[dreg:$0x0] =	wrdreg $0x0  }
0xae: {  	s6 =	sshll.u32 s28, $0x1;
	[dreg:$0x2] =	wrdreg s4  }
0xaf: {  	[dreg:$0x3] =	wrdreg s6  }
0xb0: {  	[dreg:$0x4] =	wrdreg $0xC0  }
0xb1: {  	_ =	task [dreg:s8], $0x5FFFF  }
0xb2: {  	[dreg:$0x1] =	wrdreg $0xFFFFFFFF  }
0xb3: {  	[dreg:$0x0] =	wrdreg $0x60  }
0xb4: {  	[dreg:$0x2] =	wrdreg s24  }
0xb5: {  	[dreg:$0x3] =	wrdreg s17  }
0xb6: {  	[dreg:$0x4] =	wrdreg s16  }
0xb7: {  	[dreg:$0x5] =	wrdreg $0x9  }
0xb8: {  	_ =	task.clear_ibuf [dreg:s8], $0x6FFFF;
	_ =	strace $0x90000046  }
0xb9: {  	s29 =	simm.s32 $0x9;
	_ =	strace $0x80000048  }
0xba: {  	_ =	swait.ge [sflag:s29], $0x1  }
0xbb: {  	[sflag:s29] =	ssyncadd.s32 $0xFFFFFFFF  }
0xbc: {  	_ =	strace $0x90000048  }
0xbd: {  	_ =	sfence  }
0xbe: {  	s30 =	sld [smem:$0x0];
	_ =	sdelay $0x2  }
0xbf: {  	s31 =	sshll.u32 s1, $0xD;
	s1 =	sshrl.u32 s1, $0x2  }
0xc0: {  	s3 =	sand.u32 $0x4000, s31;
	s1 =	sadd.s32 s1, s30  }
0xc1: {  	s0 =	sor.u32 s3, s0;
	s1 =	sshll.u32 s1, $0x11  }
0xc2: {  	s0 =	sor.u32 s1, s0  }
0xc3: {  	s0 =	sadd.s32 $0x8F2B, s0  }
0xc4: {  	[sflag:s0] =	ssyncadd.remote.s32 $0x1  }
0xc5: {  	_ =	sfence.sel $0xFFFF  }
0xc6: {  	[dreg:$0x0] =	wrdreg $0xFFFFFFFF;
	(pc) =	sbr.abs _section_cstart, $3  }
0xc7: {  	[dreg:$0x1] =	wrdreg $0xFFFFFFFF  }
0xc8: {  	_ =	task.clear_ibuf [dreg:s8], $0x2FFFF;
	_ =	strace $0x9FFFFFFF  }
0xc9: {  	(tm) =	ssettm $0x7FFFFFFF  }
tec
execute0_lowered:
.L_overlay_start_1:
0x0: {  	(tag) =	ssettag $0x1  }
0x1: {  	s4 =	rddreg [dreg:$0x0]  }
0x2: {  	s5 =	rddreg [dreg:$0x1]  }
0x3: {  	s7 =	rddreg [dreg:$0x2]  }
0x4: {  	s0 =	rddreg [dreg:$0x3];
	s2 =	simm.s32 $0x0  }
0x5: {  	s3 =	srdreg.scid;
	s1 =	stileid.u32;
	s12 =	simm.s32 $0x10200  }
0x6: {  	s13 =	simm.s32 $0x1;
	s14 =	simm.s32 $0x18200;
	s15 =	simm.s32 $0x0  }
0x7: {  	[smem:$0x7FF] =	sst s2;
	s6 =	sand.u32 $0x1, s3;
	s8 =	sshll.u32 s1, $0x1  }
0x8: {  	s3 =	sadd.s32 $0x40600, s4;
	s8 =	sor.u32 s6, s8;
	s6 =	ssub.s32 $0x2, s6  }
0x9: {  	_ =	strace $0x80000047;
	s9 =	sshll.u32 s8, $0xD;
	s10 =	sshrl.u32 s6, $0x1  }
0xa: {  	s11 =	sshll.u32 s8, $0x6;
	s8 =	sshll.u32 s8, $0x4;
	s9 =	sadd.s32 s9, s4  }
0xb: {  	s10 =	ssub.s32 s6, s10;
	s4 =	sadd.s32 s5, s11;
	s7 =	sadd.s32 s7, s8  }
0xc: {  	s11 =	simm.s32 $0x100;
	s5 =	sadd.s32 $0x600, s9;
	s6 =	sadd.s32 $0x60600, s9  }
0xd: {  	s8 =	smax.u32 s10, $0x1;
	s9 =	simm.s32 $0x2;
	s10 =	simm.s32 $0x200  }
.LBB2_1:
0xe: {  	[tilespmem:s2], [sflag:$0x2] =	stream.linear.gather [hbm4b:s4+s2], $0x200, $0x38;
	[tilespmem:$0x18280] =	vst v63  }
0xf: {  	_ =	swait.ge [sflag:s9], $0x200  }
0x10: {  	[sflag:s9] =	ssyncset.done $0x0  }
0x11: {  	[sflag:s9] =	ssyncadd.s32 $0xFFFFFE00  }
0x12: {  	[tilespmem:s10], [sflag:$0x2] =	stream.linear.gather [hbm4b:s5+s2], $0x10000, $0x38;
	[tilespmem:$0x18280] =	vst v63  }
0x13: {  	_ =	swait.ge [sflag:s9], $0x10000  }
0x14: {  	[sflag:s9] =	ssyncset.done $0x0  }
0x15: {  	[sflag:s9] =	ssyncadd.s32 $0xFFFF0000  }
0x16: {  	[tilespmem:s12], [sflag:$0x1] =	stream.indirect.gather [hbm4b:s3+s11], $0x80, s2, s11, $0xb8;
	[tilespmem:$0x18280] =	vst v63  }
0x17: {  	_ =	swait.ge [sflag:s13], $0x8000  }
0x18: {  	[sflag:s13] =	ssyncset.done $0x0  }
0x19: {  	s16 =	simm.s32 $0x0;
	[sflag:s13] =	ssyncadd.s32 $0xFFFF8000  }
0x1a: {  	v2 =	vld [tilespmem:s16+$0x10200]  }
0x1b: {  	v3 =	vld [tilespmem:s16+$0x10210]  }
0x1c: {  	v0 =	vimm.f32 $0.0e+00;
	s17 =	simm.s32 $0x200;
	v1 =	vimm.f32 $0.0e+00;
	v4 =	vld [tilespmem:s16+$0x200]  }
.LBB2_2:
0x1d: {  	p0 =	sne.s32 s17, $0x1FE00;
	v5 =	vld [tilespmem:s16+$0x210];
	_ =	sdelay $0x3  }
0x1e: {  	v6 =	vsub.f32 v2, v4;
	v2 =	vsub.f32 v4, v2  }
.Ltmp0:
0x1f: {  	v7 =	vsub.f32 v3, v5;
	v3 =	vsub.f32 v5, v3;
	(pc) =	sbr.rel @p0 .LBB2_2-.Ltmp0, $4  }
0x20: {  	s18 =	sshra.s32 s17, $0x2;
	v4 =	vadd.f32 v6, v4;
	v6 =	vmul.f32 v2, v2  }
0x21: {  	v2 =	vld [tilespmem:s18+$0x10200];
	v5 =	vadd.f32 v7, v5;
	v7 =	vmul.f32 v3, v3  }
0x22: {  	v3 =	vld [tilespmem:s18+$0x10210];
	[tilespmem:s16+$0x200] =	vst v4;
	v0 =	vadd.f32 v6, v0  }
0x23: {  	s17 =	sadd.s32 $0x200, s17;
	v4 =	vld [tilespmem:s18+$0x200];
	[tilespmem:s16+$0x210] =	vst v5;
	v1 =	vadd.f32 v7, v1;
	s16 =	smov.u32 s18  }
0x24: {  	v5 =	vld [tilespmem:s16+$0x210];
	_ =	sdelay $0x3  }
0x25: {  	v6 =	vsub.f32 v2, v4  }
0x26: {  	v7 =	vsub.f32 v3, v5  }
0x27: {  	v6 =	vadd.f32 v6, v4  }
0x28: {  	v7 =	vadd.f32 v7, v5  }
0x29: {  	[tilespmem:s16+$0x200] =	vst v6  }
0x2a: {  	[tilespmem:s16+$0x210] =	vst v7  }
0x2b: {  	[tilespmem:s12], [sflag:$0x1] =	stream.indirect.gather [hbm4b:s3+s11], $0x80, s11, s11, $0xb8;
	[tilespmem:$0x18280] =	vst v63  }
0x2c: {  	_ =	swait.ge [sflag:s13], $0x8000  }
0x2d: {  	v2 =	vsub.f32 v4, v2;
	v3 =	vsub.f32 v5, v3;
	[sflag:s13] =	ssyncset.done $0x0  }
0x2e: {  	s16 =	simm.s32 $0x0;
	[sflag:s13] =	ssyncadd.s32 $0xFFFF8000  }
0x2f: {  	v4 =	vmul.f32 v2, v2;
	v5 =	vmul.f32 v3, v3;
	v3 =	vld [tilespmem:s16+$0x10200]  }
0x30: {  	v2 =	vld [tilespmem:s16+$0x10210]  }
0x31: {  	s17 =	simm.s32 $0x200;
	v0 =	vadd.f32 v4, v0;
	v1 =	vadd.f32 v5, v1;
	v4 =	vld [tilespmem:s16+$0x8200]  }
.LBB2_4:
0x32: {  	p0 =	sne.s32 s17, $0x1FE00;
	v5 =	vld [tilespmem:s16+$0x8210];
	_ =	sdelay $0x3  }
0x33: {  	v6 =	vsub.f32 v3, v4;
	v3 =	vsub.f32 v4, v3  }
.Ltmp1:
0x34: {  	v7 =	vsub.f32 v2, v5;
	v2 =	vsub.f32 v5, v2;
	(pc) =	sbr.rel @p0 .LBB2_4-.Ltmp1, $4  }
0x35: {  	s18 =	sshra.s32 s17, $0x2;
	v4 =	vadd.f32 v6, v4;
	v6 =	vmul.f32 v3, v3  }
0x36: {  	v3 =	vld [tilespmem:s18+$0x10200];
	v5 =	vadd.f32 v7, v5;
	v7 =	vmul.f32 v2, v2  }
0x37: {  	v2 =	vld [tilespmem:s18+$0x10210];
	[tilespmem:s16+$0x8200] =	vst v4;
	v0 =	vadd.f32 v6, v0  }
0x38: {  	s17 =	sadd.s32 $0x200, s17;
	v4 =	vld [tilespmem:s18+$0x8200];
	[tilespmem:s16+$0x8210] =	vst v5;
	v1 =	vadd.f32 v7, v1;
	s16 =	smov.u32 s18  }
0x39: {  	v5 =	vld [tilespmem:s16+$0x8210];
	_ =	sdelay $0x4  }
0x3a: {  	v6 =	vsub.f32 v4, v3;
	v7 =	vsub.f32 v5, v2  }
0x3b: {  	v62 =	vsub.f32 v3, v4  }
0x3c: {  	v6 =	vmul.f32 v6, v6;
	v7 =	vmul.f32 v7, v7  }
0x3d: {  	v63 =	vsub.f32 v2, v5;
	v3 =	vadd.f32 v62, v4  }
0x3e: {  	v0 =	vadd.f32 v6, v0;
	v1 =	vadd.f32 v7, v1  }
0x3f: {  	v2 =	vadd.f32 v63, v5  }
0x40: {  	[tilespmem:s16+$0x8200] =	vst v3;
	v0 =	vadd.f32 v1, v0  }
0x41: {  	[tilespmem:s16+$0x8210] =	vst v2  }
0x42: {  	[tilespmem:$0x18200] =	vst v0  }
0x43: {  	[hbm4b:s6+s2] =	stream.linear.scatter [tilespmem:s10], [sflag:$0x2], $0x10000, $0x38;
	[tilespmem:$0x18280] =	vst v63  }
0x44: {  	s15 =	sadd.s32 $0x1, s15;
	_ =	swait.ge [sflag:s9], $0x10000  }
0x45: {  	p0 =	sne.s32 s15, s8;
	[sflag:s9] =	ssyncset.done $0x0  }
.Ltmp2:
0x46: {  	[sflag:s9] =	ssyncadd.s32 $0xFFFF0000;
	(pc) =	sbr.rel @p0 .LBB2_1-.Ltmp2, $4  }
0x47: {  	[hbm4b:s7+s2] =	stream.linear.scatter [tilespmem:s14], [sflag:$0x2], $0x80, $0x38;
	[tilespmem:$0x18280] =	vst v63  }
0x48: {  	_ =	swait.ge [sflag:s9], $0x80  }
0x49: {  	[sflag:s9] =	ssyncset.done $0x0  }
0x4a: {  	[sflag:s9] =	ssyncadd.s32 $0xFFFFFF80  }
0x4b: {  	_ =	sfence.sel $0x180000  }
0x4c: {  	[bflag:$0x0] =	sbarrier.arrive $0xFFFF  }
0x4d: {  	p0 =	sne.s32 s1, $0x0;
	_ =	strace $0x90000047  }
0x4e: {  	s0 =	sadd.s32 @!p0 $0x100000, s0;
	[bflag:$0x2] =	sbarrier.arrive $0xFFFF  }
0x4f: {  	[sflag:s0] =	ssyncadd.tile.s32 @!p0 $0x1;
	_ =	shalt  }
.Lfunc_end2:
_tile_overlayer_lowered:
.L_overlay_start_2:
0x50: {  	(tag) =	ssettag $0x2  }
0x51: {  	s0 =	rddreg [dreg:$0x0];
	s2 =	stileid.u32  }
0x52: {  	s1 =	rddreg [dreg:$0x1];
	p0 =	sne.s32 s2, $0x0  }
0x53: {  	s3 =	rddreg [dreg:$0x2];
	[bflag:$0x3] =	sbarrier.arrive $0xFFFF;
	s2 =	simm.s32 @!p0 $0x1C02  }
0x54: {  	[timem:s3], [sflag:s2] =	dma.local @!p0 [hbm:s0], s1  }
0x55: {  	s0 =	simm.s32 @!p0 $0x2  }
0x56: {  	_ =	swait.ge @!p0 [sflag:s0], s1  }
0x57: {  	s1 =	ssub.s32 @!p0 $0x0, s1;
	[sflag:s0] =	ssyncset.done @!p0 $0x0  }
0x58: {  	[sflag:s0] =	ssyncadd.s32 @!p0 s1  }
0x59: {  	[bflag:$0x3] =	sbarrier.arrive $0xFFFF  }
0x5a: {  	_ =	shalt  }

</sc_bundles>
